<compile_context>
chip_gen: v7x
topology: tpu7x:2x2x1
jax: 0.10.2.dev20260603
libtpu: 0.0.44.dev20260713+nightly
codegen_flags: <defaults>
</compile_context>

<pallas_src>
import functools

import jax
import jax.numpy as jnp
from jax import lax
from jax.experimental import pallas as pl
from jax.experimental.pallas import tpu as pltpu
from jax.experimental.pallas import tpu_sc as plsc

_NC = 2
_NS = 16
_NW = _NC * _NS
_L = 16


def _body(nlist_hbm, atype_hbm, out_hbm, table_v, in_v, out_v, *,
          nloc, nnei, nall, rows_pw, rows_pb):
    nblocks = rows_pw // rows_pb
    chunk = rows_pb * nnei

    wid = lax.axis_index("s") * _NC + lax.axis_index("c")
    row0 = wid * rows_pw
    f = row0 // nloc
    lrow0 = row0 - f * nloc

    pltpu.sync_copy(atype_hbm.at[f], table_v)

    def block(b, _):
        off = lrow0 * nnei + b * chunk
        pltpu.sync_copy(nlist_hbm.at[f, pl.ds(off, chunk)], in_v)

        def row(r, _):
            i = lrow0 + b * rows_pb + r
            ti = plsc.load_gather(
                table_v, [jnp.broadcast_to(i, (_L,)).astype(jnp.int32)])
            rv = jnp.where(ti < 4, ti ^ 1, jnp.int32(-5))
            for j in range(nnei // _L):
                o = r * nnei + j * _L
                nl = in_v[pl.ds(o, _L)]
                tj = plsc.load_gather(table_v, [jnp.maximum(nl, 0)])
                out_v[pl.ds(o, _L)] = ((tj != rv) | (nl < 0)).astype(jnp.int32)
            return 0

        lax.fori_loop(0, rows_pb, row, 0)
        pltpu.sync_copy(out_v, out_hbm.at[f, pl.ds(off, chunk)])
        return 0

    lax.fori_loop(0, nblocks, block, 0)


@jax.jit
def kernel(nlist, atype_ext):
    nf, nloc, nnei = nlist.shape
    nall = atype_ext.shape[1]
    assert (nf * nloc) % _NW == 0
    rows_pw = (nf * nloc) // _NW
    assert nloc % rows_pw == 0
    assert nnei % _L == 0
    rows_pb = min(rows_pw, 128)
    assert rows_pw % rows_pb == 0

    nlist_flat = nlist.reshape(nf, nloc * nnei)
    mesh = plsc.VectorSubcoreMesh(
        core_axis_name="c", subcore_axis_name="s",
        num_cores=_NC, num_subcores=_NS)
    body = functools.partial(
        _body, nloc=nloc, nnei=nnei, nall=nall,
        rows_pw=rows_pw, rows_pb=rows_pb)
    out = pl.kernel(
        body,
        out_type=jax.ShapeDtypeStruct((nf, nloc * nnei), jnp.int32),
        mesh=mesh,
        compiler_params=pltpu.CompilerParams(needs_layout_passes=False),
        scratch_types=[
            pltpu.VMEM((nall,), jnp.int32),
            pltpu.VMEM((rows_pb * nnei,), jnp.int32),
            pltpu.VMEM((rows_pb * nnei,), jnp.int32),
        ],
    )(nlist_flat, atype_ext)
    return out.reshape(nf, nloc, nnei)

# --- scband reference (transcript-rebuilt; emitter-appended) ---
"""Pipeline reference for scband-pair-exclude-mask-7078106104118 (READ-ONLY COPY).

The authoritative reference and input builder live on the scoring server;
editing this copy changes nothing except your own understanding.
"""

import jax, jax.numpy as jnp
import numpy as np

NTYPES = 8
EXCLUDE_TYPES = [(0, 1), (2, 3)]


def _build_type_mask():
    ex = set()
    for a, b in EXCLUDE_TYPES:
        ex.add((a, b))
        ex.add((b, a))
    m = np.array(
        [[1 if (tt_i, tt_j) not in ex else 0 for tt_i in range(NTYPES + 1)]
         for tt_j in range(NTYPES + 1)],
        dtype=np.int32,
    )
    return jnp.asarray(m.reshape(-1))


def setup_inputs(seed: int = 0) -> dict:
    key = jax.random.key(seed)
    k1, k2 = jax.random.split(key)
    nf, nloc, nnei, nall = 4, 8192, 128, 10240
    nlist = jax.random.randint(k1, (nf, nloc, nnei), 0, nall, dtype=jnp.int32)
    atype_ext = jax.random.randint(k2, (nf, nall), 0, NTYPES, dtype=jnp.int32)
    return {"nlist": nlist, "atype_ext": atype_ext}


def reference(nlist, atype_ext):
    type_mask = _build_type_mask()
    nf, nloc, nnei = nlist.shape
    nall = atype_ext.shape[1]
    # append sentinel type = ntypes for masked (-1) neighbors
    ae = jnp.concatenate(
        [atype_ext, NTYPES * jnp.ones((nf, 1), dtype=atype_ext.dtype)], axis=-1
    )
    type_i = atype_ext[:, :nloc].reshape(nf, nloc) * (NTYPES + 1)
    index = jnp.where(nlist == -1, nall, nlist).reshape(nf, nloc * nnei)
    type_j = jnp.take_along_axis(ae, index, axis=1).reshape(nf, nloc, nnei)
    type_ij = (type_i[:, :, None] + type_j).reshape(nf, nloc * nnei)
    mask = jnp.take(type_mask, type_ij, axis=0).reshape(nf, nloc, nnei)
    return mask

if __name__ == "__main__":
    import jax
    _d = setup_inputs()
    print(jax.jit(kernel)(*tuple(_d.values())))

</pallas_src>

<mosaic_0001>
#map = affine_map<(d0, d1) -> (0, 0)>
module attributes {stable_mosaic.version = 14 : i64} {
  func.func @_body(%arg0: i32, %arg1: i32, %arg2: memref<4x1048576xi32, #tpu.memory_space<hbm>>, %arg3: memref<4x10240xi32, #tpu.memory_space<hbm>>, %arg4: memref<4x1048576xi32, #tpu.memory_space<hbm>>, %arg5: memref<10240xi32, #tpu.memory_space<vmem>>, %arg6: memref<16384xi32, #tpu.memory_space<vmem>>, %arg7: memref<16384xi32, #tpu.memory_space<vmem>>) attributes {dimension_semantics = [#tpu.dimension_semantics<core_parallel>, #tpu.dimension_semantics<subcore_parallel>], iteration_bounds = array<i64: 2, 16>, scalar_prefetch = 0 : i64, scratch_operands = 3 : i64, tpu.core_type = #tpu.core_type<sc_vector_subcore>, window_params = [{transform_indices = #map}, {transform_indices = #map}, {transform_indices = #map}]} {
    %mul3A = arith.constant 2 : i32
    %mul3A_0 = arith.muli %arg1, %mul3A : i32
    %add3A = arith.addi %mul3A_0, %arg0 : i32
    %mul3A_1 = arith.constant 1024 : i32
    %mul3A_2 = arith.muli %add3A, %mul3A_1 : i32
    %jit3A = arith.constant 8192 : i32
    %div3A = arith.divsi %mul3A_2, %jit3A : i32
    %sign3A = arith.constant 0 : i32
    %sign3A_3 = arith.cmpi sgt, %mul3A_2, %sign3A : i32
    %sign3A_4 = arith.extui %sign3A_3 : i1 to i32
    %sign3A_5 = arith.constant 0 : i32
    %sign3A_6 = arith.cmpi slt, %mul3A_2, %sign3A_5 : i32
    %sign3A_7 = arith.extui %sign3A_6 : i1 to i32
    %sign3A_8 = arith.subi %sign3A_4, %sign3A_7 : i32
    %sign3A_9 = arith.constant 0 : i32
    %sign3A_10 = arith.cmpi sgt, %jit3A, %sign3A_9 : i32
    %sign3A_11 = arith.extui %sign3A_10 : i1 to i32
    %sign3A_12 = arith.constant 0 : i32
    %sign3A_13 = arith.cmpi slt, %jit3A, %sign3A_12 : i32
    %sign3A_14 = arith.extui %sign3A_13 : i1 to i32
    %sign3A_15 = arith.subi %sign3A_11, %sign3A_14 : i32
    %ne3A = arith.cmpi ne, %sign3A_8, %sign3A_15 : i32
    %rem3A = arith.remsi %mul3A_2, %jit3A : i32
    %ne3A_16 = arith.constant 0 : i32
    %ne3A_17 = arith.cmpi ne, %rem3A, %ne3A_16 : i32
    %and3A = arith.andi %ne3A, %ne3A_17 : i1
    %sub3A = arith.constant 1 : i32
    %sub3A_18 = arith.subi %div3A, %sub3A : i32
    %select_n3A = arith.select %and3A, %sub3A_18, %div3A : i32
    %mul3A_19 = arith.constant 8192 : i32
    %mul3A_20 = arith.muli %select_n3A, %mul3A_19 : i32
    %sub3A_21 = arith.subi %mul3A_2, %mul3A_20 : i32
    "tpu.region"() ({
      %run_scoped3A = tpu.sem_alloc : memref<!tpu.dma_semaphore, #tpu.memory_space<semaphore_mem>>
      %dma_start3A = arith.constant 0 : i32
      %dma_start3A_28 = tpu.memref_slice %arg3[%select_n3A, %dma_start3A] : memref<4x10240xi32, #tpu.memory_space<hbm>> -> memref<1x10240xi32, #tpu.memory_space<hbm>>
      %dma_start3A_29 = tpu.memref_squeeze %dma_start3A_28 : memref<1x10240xi32, #tpu.memory_space<hbm>> -> memref<10240xi32, #tpu.memory_space<hbm>>
      %dma_start3A_30 = arith.constant 0 : i32
      %dma_start3A_31 = tpu.memref_slice %arg3[%select_n3A, %dma_start3A_30] : memref<4x10240xi32, #tpu.memory_space<hbm>> -> memref<1x10240xi32, #tpu.memory_space<hbm>>
      %dma_start3A_32 = tpu.memref_squeeze %dma_start3A_31 : memref<1x10240xi32, #tpu.memory_space<hbm>> -> memref<10240xi32, #tpu.memory_space<hbm>>
      tpu.enqueue_dma source(%dma_start3A_32 : memref<10240xi32, #tpu.memory_space<hbm>>) target(%arg5 : memref<10240xi32, #tpu.memory_space<vmem>>) target_semaphore(%run_scoped3A : memref<!tpu.dma_semaphore, #tpu.memory_space<semaphore_mem>>)
      %dma_wait3A = arith.constant 0 : i32
      %dma_wait3A_33 = tpu.memref_slice %arg3[%select_n3A, %dma_wait3A] : memref<4x10240xi32, #tpu.memory_space<hbm>> -> memref<1x10240xi32, #tpu.memory_space<hbm>>
      %dma_wait3A_34 = tpu.memref_squeeze %dma_wait3A_33 : memref<1x10240xi32, #tpu.memory_space<hbm>> -> memref<10240xi32, #tpu.memory_space<hbm>>
      %dma_wait3A_35 = arith.constant 0 : i32
      %dma_wait3A_36 = tpu.memref_slice %arg3[%select_n3A, %dma_wait3A_35] : memref<4x10240xi32, #tpu.memory_space<hbm>> -> memref<1x10240xi32, #tpu.memory_space<hbm>>
      %dma_wait3A_37 = tpu.memref_squeeze %dma_wait3A_36 : memref<1x10240xi32, #tpu.memory_space<hbm>> -> memref<10240xi32, #tpu.memory_space<hbm>>
      tpu.wait_dma2 semaphore(%run_scoped3A : memref<!tpu.dma_semaphore, #tpu.memory_space<semaphore_mem>>) src(%dma_wait3A_37 : memref<10240xi32, #tpu.memory_space<hbm>>) dst(%arg5 : memref<10240xi32, #tpu.memory_space<vmem>>)
      tpu.yield
    }) : () -> ()
    %scan3A = arith.constant 0 : i32
    %scan3A_22 = arith.constant 0 : i32
    %scan3A_23 = arith.constant 8 : i32
    %scan3A_24 = arith.addi %scan3A_22, %scan3A_23 : i32
    %scan3A_25 = arith.constant 1 : i32
    %scan3A_26 = scf.for %scan3A_28 = %scan3A_22 to %scan3A_24 step %scan3A_25 iter_args(%scan3A_29 = %scan3A) -> (i32)  : i32 {
      %mul3A_30 = arith.constant 128 : i32
      %mul3A_31 = arith.muli %sub3A_21, %mul3A_30 : i32
      %mul3A_32 = arith.constant 16384 : i32
      %mul3A_33 = arith.muli %scan3A_28, %mul3A_32 : i32
      %add3A_34 = arith.addi %mul3A_31, %mul3A_33 : i32
      "tpu.region"() ({
        %run_scoped3A = tpu.sem_alloc : memref<!tpu.dma_semaphore, #tpu.memory_space<semaphore_mem>>
        %dma_start3A = tpu.memref_slice %arg2[%select_n3A, %add3A_34] : memref<4x1048576xi32, #tpu.memory_space<hbm>> -> memref<1x16384xi32, #tpu.memory_space<hbm>>
        %dma_start3A_43 = tpu.memref_squeeze %dma_start3A : memref<1x16384xi32, #tpu.memory_space<hbm>> -> memref<16384xi32, #tpu.memory_space<hbm>>
        %dma_start3A_44 = tpu.memref_slice %arg2[%select_n3A, %add3A_34] : memref<4x1048576xi32, #tpu.memory_space<hbm>> -> memref<1x16384xi32, #tpu.memory_space<hbm>>
        %dma_start3A_45 = tpu.memref_squeeze %dma_start3A_44 : memref<1x16384xi32, #tpu.memory_space<hbm>> -> memref<16384xi32, #tpu.memory_space<hbm>>
        tpu.enqueue_dma source(%dma_start3A_45 : memref<16384xi32, #tpu.memory_space<hbm>>) target(%arg6 : memref<16384xi32, #tpu.memory_space<vmem>>) target_semaphore(%run_scoped3A : memref<!tpu.dma_semaphore, #tpu.memory_space<semaphore_mem>>)
        %dma_wait3A = tpu.memref_slice %arg2[%select_n3A, %add3A_34] : memref<4x1048576xi32, #tpu.memory_space<hbm>> -> memref<1x16384xi32, #tpu.memory_space<hbm>>
        %dma_wait3A_46 = tpu.memref_squeeze %dma_wait3A : memref<1x16384xi32, #tpu.memory_space<hbm>> -> memref<16384xi32, #tpu.memory_space<hbm>>
        %dma_wait3A_47 = tpu.memref_slice %arg2[%select_n3A, %add3A_34] : memref<4x1048576xi32, #tpu.memory_space<hbm>> -> memref<1x16384xi32, #tpu.memory_space<hbm>>
        %dma_wait3A_48 = tpu.memref_squeeze %dma_wait3A_47 : memref<1x16384xi32, #tpu.memory_space<hbm>> -> memref<16384xi32, #tpu.memory_space<hbm>>
        tpu.wait_dma2 semaphore(%run_scoped3A : memref<!tpu.dma_semaphore, #tpu.memory_space<semaphore_mem>>) src(%dma_wait3A_48 : memref<16384xi32, #tpu.memory_space<hbm>>) dst(%arg6 : memref<16384xi32, #tpu.memory_space<vmem>>)
        tpu.yield
      }) : () -> ()
      %scan3A_35 = arith.constant 0 : i32
      %scan3A_36 = arith.constant 0 : i32
      %scan3A_37 = arith.constant 128 : i32
      %scan3A_38 = arith.addi %scan3A_36, %scan3A_37 : i32
      %scan3A_39 = arith.constant 1 : i32
      %scan3A_40 = scf.for %scan3A_43 = %scan3A_36 to %scan3A_38 step %scan3A_39 iter_args(%scan3A_44 = %scan3A_35) -> (i32)  : i32 {
        %mul3A_45 = arith.constant 128 : i32
        %mul3A_46 = arith.muli %scan3A_28, %mul3A_45 : i32
        %add3A_47 = arith.addi %sub3A_21, %mul3A_46 : i32
        %add3A_48 = arith.addi %add3A_47, %scan3A_43 : i32
        %broadcast_in_dim3A = vector.broadcast %add3A_48 : i32 to vector<16xi32>
        %gather3A = tpu.vector_load_idx %arg5[%broadcast_in_dim3A] : memref<10240xi32, #tpu.memory_space<vmem>>[vector<16xi32>], vector<16xi32>,
        %lt3A = arith.constant 4 : i32
        %lt3A_49 = vector.broadcast %lt3A : i32 to vector<16xi32>
        %lt3A_50 = arith.cmpi slt, %gather3A, %lt3A_49 : vector<16xi32>
        %xor3A = arith.constant 1 : i32
        %xor3A_51 = vector.broadcast %xor3A : i32 to vector<16xi32>
        %xor3A_52 = arith.xori %gather3A, %xor3A_51 : vector<16xi32>
        %jit3A_53 = arith.constant -5 : i32
        %broadcast_in_dim3A_54 = vector.broadcast %jit3A_53 : i32 to vector<16xi32>
        %select_n3A_55 = arith.select %lt3A_50, %xor3A_52, %broadcast_in_dim3A_54 : vector<16xi1>, vector<16xi32>
        %mul3A_56 = arith.constant 128 : i32
        %mul3A_57 = arith.muli %scan3A_43, %mul3A_56 : i32
        %add3A_58 = arith.constant 0 : i32
        %add3A_59 = arith.addi %mul3A_57, %add3A_58 : i32
        %get3A = arith.index_cast %add3A_59 : i32 to index
        %get3A_60 = tpu.vector_load %arg6[%get3A] {strides = array<i32>} : memref<16384xi32, #tpu.memory_space<vmem>>, vector<16xi32>,
        %max3A = arith.constant 0 : i32
        %max3A_61 = vector.broadcast %max3A : i32 to vector<16xi32>
        %max3A_62 = arith.maxsi %get3A_60, %max3A_61 : vector<16xi32>
        %gather3A_63 = tpu.vector_load_idx %arg5[%max3A_62] : memref<10240xi32, #tpu.memory_space<vmem>>[vector<16xi32>], vector<16xi32>,
        %ne3A_64 = arith.cmpi ne, %gather3A_63, %select_n3A_55 : vector<16xi32>
        %lt3A_65 = arith.constant 0 : i32
        %lt3A_66 = vector.broadcast %lt3A_65 : i32 to vector<16xi32>
        %lt3A_67 = arith.cmpi slt, %get3A_60, %lt3A_66 : vector<16xi32>
        %or3A = arith.ori %ne3A_64, %lt3A_67 : vector<16xi1>
        %convert_element_type3A = arith.extui %or3A : vector<16xi1> to vector<16xi32>
        %swap3A = arith.index_cast %add3A_59 : i32 to index
        %swap3A_68 = tpu.vector_load %arg7[%swap3A] {strides = array<i32>} : memref<16384xi32, #tpu.memory_space<vmem>>, vector<16xi32>,
        tpu.vector_store %arg7[%swap3A], %convert_element_type3A {strides = array<i32>} : memref<16384xi32, #tpu.memory_space<vmem>>, vector<16xi32>,
        %mul3A_69 = arith.constant 128 : i32
        %mul3A_70 = arith.muli %scan3A_43, %mul3A_69 : i32
        %add3A_71 = arith.constant 16 : i32
        %add3A_72 = arith.addi %mul3A_70, %add3A_71 : i32
        %get3A_73 = arith.index_cast %add3A_72 : i32 to index
        %get3A_74 = tpu.vector_load %arg6[%get3A_73] {strides = array<i32>} : memref<16384xi32, #tpu.memory_space<vmem>>, vector<16xi32>,
        %max3A_75 = arith.constant 0 : i32
        %max3A_76 = vector.broadcast %max3A_75 : i32 to vector<16xi32>
        %max3A_77 = arith.maxsi %get3A_74, %max3A_76 : vector<16xi32>
        %gather3A_78 = tpu.vector_load_idx %arg5[%max3A_77] : memref<10240xi32, #tpu.memory_space<vmem>>[vector<16xi32>], vector<16xi32>,
        %ne3A_79 = arith.cmpi ne, %gather3A_78, %select_n3A_55 : vector<16xi32>
        %lt3A_80 = arith.constant 0 : i32
        %lt3A_81 = vector.broadcast %lt3A_80 : i32 to vector<16xi32>
        %lt3A_82 = arith.cmpi slt, %get3A_74, %lt3A_81 : vector<16xi32>
        %or3A_83 = arith.ori %ne3A_79, %lt3A_82 : vector<16xi1>
        %convert_element_type3A_84 = arith.extui %or3A_83 : vector<16xi1> to vector<16xi32>
        %swap3A_85 = arith.index_cast %add3A_72 : i32 to index
        %swap3A_86 = tpu.vector_load %arg7[%swap3A_85] {strides = array<i32>} : memref<16384xi32, #tpu.memory_space<vmem>>, vector<16xi32>,
        tpu.vector_store %arg7[%swap3A_85], %convert_element_type3A_84 {strides = array<i32>} : memref<16384xi32, #tpu.memory_space<vmem>>, vector<16xi32>,
        %mul3A_87 = arith.constant 128 : i32
        %mul3A_88 = arith.muli %scan3A_43, %mul3A_87 : i32
        %add3A_89 = arith.constant 32 : i32
        %add3A_90 = arith.addi %mul3A_88, %add3A_89 : i32
        %get3A_91 = arith.index_cast %add3A_90 : i32 to index
        %get3A_92 = tpu.vector_load %arg6[%get3A_91] {strides = array<i32>} : memref<16384xi32, #tpu.memory_space<vmem>>, vector<16xi32>,
        %max3A_93 = arith.constant 0 : i32
        %max3A_94 = vector.broadcast %max3A_93 : i32 to vector<16xi32>
        %max3A_95 = arith.maxsi %get3A_92, %max3A_94 : vector<16xi32>
        %gather3A_96 = tpu.vector_load_idx %arg5[%max3A_95] : memref<10240xi32, #tpu.memory_space<vmem>>[vector<16xi32>], vector<16xi32>,
        %ne3A_97 = arith.cmpi ne, %gather3A_96, %select_n3A_55 : vector<16xi32>
        %lt3A_98 = arith.constant 0 : i32
        %lt3A_99 = vector.broadcast %lt3A_98 : i32 to vector<16xi32>
        %lt3A_100 = arith.cmpi slt, %get3A_92, %lt3A_99 : vector<16xi32>
        %or3A_101 = arith.ori %ne3A_97, %lt3A_100 : vector<16xi1>
        %convert_element_type3A_102 = arith.extui %or3A_101 : vector<16xi1> to vector<16xi32>
        %swap3A_103 = arith.index_cast %add3A_90 : i32 to index
        %swap3A_104 = tpu.vector_load %arg7[%swap3A_103] {strides = array<i32>} : memref<16384xi32, #tpu.memory_space<vmem>>, vector<16xi32>,
        tpu.vector_store %arg7[%swap3A_103], %convert_element_type3A_102 {strides = array<i32>} : memref<16384xi32, #tpu.memory_space<vmem>>, vector<16xi32>,
        %mul3A_105 = arith.constant 128 : i32
        %mul3A_106 = arith.muli %scan3A_43, %mul3A_105 : i32
        %add3A_107 = arith.constant 48 : i32
        %add3A_108 = arith.addi %mul3A_106, %add3A_107 : i32
        %get3A_109 = arith.index_cast %add3A_108 : i32 to index
        %get3A_110 = tpu.vector_load %arg6[%get3A_109] {strides = array<i32>} : memref<16384xi32, #tpu.memory_space<vmem>>, vector<16xi32>,
        %max3A_111 = arith.constant 0 : i32
        %max3A_112 = vector.broadcast %max3A_111 : i32 to vector<16xi32>
        %max3A_113 = arith.maxsi %get3A_110, %max3A_112 : vector<16xi32>
        %gather3A_114 = tpu.vector_load_idx %arg5[%max3A_113] : memref<10240xi32, #tpu.memory_space<vmem>>[vector<16xi32>], vector<16xi32>,
        %ne3A_115 = arith.cmpi ne, %gather3A_114, %select_n3A_55 : vector<16xi32>
        %lt3A_116 = arith.constant 0 : i32
        %lt3A_117 = vector.broadcast %lt3A_116 : i32 to vector<16xi32>
        %lt3A_118 = arith.cmpi slt, %get3A_110, %lt3A_117 : vector<16xi32>
        %or3A_119 = arith.ori %ne3A_115, %lt3A_118 : vector<16xi1>
        %convert_element_type3A_120 = arith.extui %or3A_119 : vector<16xi1> to vector<16xi32>
        %swap3A_121 = arith.index_cast %add3A_108 : i32 to index
        %swap3A_122 = tpu.vector_load %arg7[%swap3A_121] {strides = array<i32>} : memref<16384xi32, #tpu.memory_space<vmem>>, vector<16xi32>,
        tpu.vector_store %arg7[%swap3A_121], %convert_element_type3A_120 {strides = array<i32>} : memref<16384xi32, #tpu.memory_space<vmem>>, vector<16xi32>,
        %mul3A_123 = arith.constant 128 : i32
        %mul3A_124 = arith.muli %scan3A_43, %mul3A_123 : i32
        %add3A_125 = arith.constant 64 : i32
        %add3A_126 = arith.addi %mul3A_124, %add3A_125 : i32
        %get3A_127 = arith.index_cast %add3A_126 : i32 to index
        %get3A_128 = tpu.vector_load %arg6[%get3A_127] {strides = array<i32>} : memref<16384xi32, #tpu.memory_space<vmem>>, vector<16xi32>,
        %max3A_129 = arith.constant 0 : i32
        %max3A_130 = vector.broadcast %max3A_129 : i32 to vector<16xi32>
        %max3A_131 = arith.maxsi %get3A_128, %max3A_130 : vector<16xi32>
        %gather3A_132 = tpu.vector_load_idx %arg5[%max3A_131] : memref<10240xi32, #tpu.memory_space<vmem>>[vector<16xi32>], vector<16xi32>,
        %ne3A_133 = arith.cmpi ne, %gather3A_132, %select_n3A_55 : vector<16xi32>
        %lt3A_134 = arith.constant 0 : i32
        %lt3A_135 = vector.broadcast %lt3A_134 : i32 to vector<16xi32>
        %lt3A_136 = arith.cmpi slt, %get3A_128, %lt3A_135 : vector<16xi32>
        %or3A_137 = arith.ori %ne3A_133, %lt3A_136 : vector<16xi1>
        %convert_element_type3A_138 = arith.extui %or3A_137 : vector<16xi1> to vector<16xi32>
        %swap3A_139 = arith.index_cast %add3A_126 : i32 to index
        %swap3A_140 = tpu.vector_load %arg7[%swap3A_139] {strides = array<i32>} : memref<16384xi32, #tpu.memory_space<vmem>>, vector<16xi32>,
        tpu.vector_store %arg7[%swap3A_139], %convert_element_type3A_138 {strides = array<i32>} : memref<16384xi32, #tpu.memory_space<vmem>>, vector<16xi32>,
        %mul3A_141 = arith.constant 128 : i32
        %mul3A_142 = arith.muli %scan3A_43, %mul3A_141 : i32
        %add3A_143 = arith.constant 80 : i32
        %add3A_144 = arith.addi %mul3A_142, %add3A_143 : i32
        %get3A_145 = arith.index_cast %add3A_144 : i32 to index
        %get3A_146 = tpu.vector_load %arg6[%get3A_145] {strides = array<i32>} : memref<16384xi32, #tpu.memory_space<vmem>>, vector<16xi32>,
        %max3A_147 = arith.constant 0 : i32
        %max3A_148 = vector.broadcast %max3A_147 : i32 to vector<16xi32>
        %max3A_149 = arith.maxsi %get3A_146, %max3A_148 : vector<16xi32>
        %gather3A_150 = tpu.vector_load_idx %arg5[%max3A_149] : memref<10240xi32, #tpu.memory_space<vmem>>[vector<16xi32>], vector<16xi32>,
        %ne3A_151 = arith.cmpi ne, %gather3A_150, %select_n3A_55 : vector<16xi32>
        %lt3A_152 = arith.constant 0 : i32
        %lt3A_153 = vector.broadcast %lt3A_152 : i32 to vector<16xi32>
        %lt3A_154 = arith.cmpi slt, %get3A_146, %lt3A_153 : vector<16xi32>
        %or3A_155 = arith.ori %ne3A_151, %lt3A_154 : vector<16xi1>
        %convert_element_type3A_156 = arith.extui %or3A_155 : vector<16xi1> to vector<16xi32>
        %swap3A_157 = arith.index_cast %add3A_144 : i32 to index
        %swap3A_158 = tpu.vector_load %arg7[%swap3A_157] {strides = array<i32>} : memref<16384xi32, #tpu.memory_space<vmem>>, vector<16xi32>,
        tpu.vector_store %arg7[%swap3A_157], %convert_element_type3A_156 {strides = array<i32>} : memref<16384xi32, #tpu.memory_space<vmem>>, vector<16xi32>,
        %mul3A_159 = arith.constant 128 : i32
        %mul3A_160 = arith.muli %scan3A_43, %mul3A_159 : i32
        %add3A_161 = arith.constant 96 : i32
        %add3A_162 = arith.addi %mul3A_160, %add3A_161 : i32
        %get3A_163 = arith.index_cast %add3A_162 : i32 to index
        %get3A_164 = tpu.vector_load %arg6[%get3A_163] {strides = array<i32>} : memref<16384xi32, #tpu.memory_space<vmem>>, vector<16xi32>,
        %max3A_165 = arith.constant 0 : i32
        %max3A_166 = vector.broadcast %max3A_165 : i32 to vector<16xi32>
        %max3A_167 = arith.maxsi %get3A_164, %max3A_166 : vector<16xi32>
        %gather3A_168 = tpu.vector_load_idx %arg5[%max3A_167] : memref<10240xi32, #tpu.memory_space<vmem>>[vector<16xi32>], vector<16xi32>,
        %ne3A_169 = arith.cmpi ne, %gather3A_168, %select_n3A_55 : vector<16xi32>
        %lt3A_170 = arith.constant 0 : i32
        %lt3A_171 = vector.broadcast %lt3A_170 : i32 to vector<16xi32>
        %lt3A_172 = arith.cmpi slt, %get3A_164, %lt3A_171 : vector<16xi32>
        %or3A_173 = arith.ori %ne3A_169, %lt3A_172 : vector<16xi1>
        %convert_element_type3A_174 = arith.extui %or3A_173 : vector<16xi1> to vector<16xi32>
        %swap3A_175 = arith.index_cast %add3A_162 : i32 to index
        %swap3A_176 = tpu.vector_load %arg7[%swap3A_175] {strides = array<i32>} : memref<16384xi32, #tpu.memory_space<vmem>>, vector<16xi32>,
        tpu.vector_store %arg7[%swap3A_175], %convert_element_type3A_174 {strides = array<i32>} : memref<16384xi32, #tpu.memory_space<vmem>>, vector<16xi32>,
        %mul3A_177 = arith.constant 128 : i32
        %mul3A_178 = arith.muli %scan3A_43, %mul3A_177 : i32
        %add3A_179 = arith.constant 112 : i32
        %add3A_180 = arith.addi %mul3A_178, %add3A_179 : i32
        %get3A_181 = arith.index_cast %add3A_180 : i32 to index
        %get3A_182 = tpu.vector_load %arg6[%get3A_181] {strides = array<i32>} : memref<16384xi32, #tpu.memory_space<vmem>>, vector<16xi32>,
        %max3A_183 = arith.constant 0 : i32
        %max3A_184 = vector.broadcast %max3A_183 : i32 to vector<16xi32>
        %max3A_185 = arith.maxsi %get3A_182, %max3A_184 : vector<16xi32>
        %gather3A_186 = tpu.vector_load_idx %arg5[%max3A_185] : memref<10240xi32, #tpu.memory_space<vmem>>[vector<16xi32>], vector<16xi32>,
        %ne3A_187 = arith.cmpi ne, %gather3A_186, %select_n3A_55 : vector<16xi32>
        %lt3A_188 = arith.constant 0 : i32
        %lt3A_189 = vector.broadcast %lt3A_188 : i32 to vector<16xi32>
        %lt3A_190 = arith.cmpi slt, %get3A_182, %lt3A_189 : vector<16xi32>
        %or3A_191 = arith.ori %ne3A_187, %lt3A_190 : vector<16xi1>
        %convert_element_type3A_192 = arith.extui %or3A_191 : vector<16xi1> to vector<16xi32>
        %swap3A_193 = arith.index_cast %add3A_180 : i32 to index
        %swap3A_194 = tpu.vector_load %arg7[%swap3A_193] {strides = array<i32>} : memref<16384xi32, #tpu.memory_space<vmem>>, vector<16xi32>,
        tpu.vector_store %arg7[%swap3A_193], %convert_element_type3A_192 {strides = array<i32>} : memref<16384xi32, #tpu.memory_space<vmem>>, vector<16xi32>,
        %scan3A_195 = arith.constant 0 : i32
        scf.yield %scan3A_195 : i32
      }
      %scan3A_41 = arith.constant 128 : i32
      "tpu.region"() ({
        %run_scoped3A = tpu.sem_alloc : memref<!tpu.dma_semaphore, #tpu.memory_space<semaphore_mem>>
        %dma_start3A = tpu.memref_slice %arg4[%select_n3A, %add3A_34] : memref<4x1048576xi32, #tpu.memory_space<hbm>> -> memref<1x16384xi32, #tpu.memory_space<hbm>>
        %dma_start3A_43 = tpu.memref_squeeze %dma_start3A : memref<1x16384xi32, #tpu.memory_space<hbm>> -> memref<16384xi32, #tpu.memory_space<hbm>>
        %dma_start3A_44 = tpu.memref_slice %arg4[%select_n3A, %add3A_34] : memref<4x1048576xi32, #tpu.memory_space<hbm>> -> memref<1x16384xi32, #tpu.memory_space<hbm>>
        %dma_start3A_45 = tpu.memref_squeeze %dma_start3A_44 : memref<1x16384xi32, #tpu.memory_space<hbm>> -> memref<16384xi32, #tpu.memory_space<hbm>>
        tpu.enqueue_dma source(%arg7 : memref<16384xi32, #tpu.memory_space<vmem>>) target(%dma_start3A_45 : memref<16384xi32, #tpu.memory_space<hbm>>) target_semaphore(%run_scoped3A : memref<!tpu.dma_semaphore, #tpu.memory_space<semaphore_mem>>)
        %dma_wait3A = tpu.memref_slice %arg4[%select_n3A, %add3A_34] : memref<4x1048576xi32, #tpu.memory_space<hbm>> -> memref<1x16384xi32, #tpu.memory_space<hbm>>
        %dma_wait3A_46 = tpu.memref_squeeze %dma_wait3A : memref<1x16384xi32, #tpu.memory_space<hbm>> -> memref<16384xi32, #tpu.memory_space<hbm>>
        %dma_wait3A_47 = tpu.memref_slice %arg4[%select_n3A, %add3A_34] : memref<4x1048576xi32, #tpu.memory_space<hbm>> -> memref<1x16384xi32, #tpu.memory_space<hbm>>
        %dma_wait3A_48 = tpu.memref_squeeze %dma_wait3A_47 : memref<1x16384xi32, #tpu.memory_space<hbm>> -> memref<16384xi32, #tpu.memory_space<hbm>>
        tpu.wait_dma2 semaphore(%run_scoped3A : memref<!tpu.dma_semaphore, #tpu.memory_space<semaphore_mem>>) src(%arg7 : memref<16384xi32, #tpu.memory_space<vmem>>) dst(%dma_wait3A_48 : memref<16384xi32, #tpu.memory_space<hbm>>)
        tpu.yield
      }) : () -> ()
      %scan3A_42 = arith.constant 0 : i32
      scf.yield %scan3A_42 : i32
    }
    %scan3A_27 = arith.constant 8 : i32
    return
  }
}

</mosaic_0001>

<sc_bundles>
// kernel: kernel.3.cloned.1.call-start
scs
__scs_entry_jumppad:
0x0: {  	(pc) =	sbr.rel $0x88, $3  }
0x1: {  	(tag) =	ssettag $0x0;
	lr =	simm.s32 $0x1  }
0x2: {  	[smem:$0x3F9F] =	sst lr;
	_ =	strace $0xD0000000  }
0x3: {  	_ = 	snop  }
0x4: {  	_ = 	snop  }
0x5: {  	_ = 	snop  }
0x6: {  	_ = 	snop  }
0x7: {  	_ = 	snop  }
__scs_overlays_trampoline_lowered:
0x8: {  	[smem:$0x3FAE] =	sst s0  }
0x9: {  	[smem:$0x3FAF] =	sst s1  }
0xa: {  	[smem:$0x3FB0] =	sst s2  }
0xb: {  	[smem:$0x3FB1] =	sst s3  }
0xc: {  	[smem:$0x3FB2] =	sst s4  }
0xd: {  	[smem:$0x3FB3] =	sst s5  }
0xe: {  	[smem:$0x3FB4] =	sst s6  }
0xf: {  	[smem:$0x3FB5] =	sst s7  }
0x10: {  	[smem:$0x3FB6] =	sst s8  }
0x11: {  	[smem:$0x3FB7] =	sst s9;
	s0 =	simm.s32 @!p0 $0x0  }
0x12: {  	s1 =	sld [smem:$0x3F9D];
	s0 =	simm.s32 @p0 $0x1  }
0x13: {  	[smem:$0x3FB8] =	sst s0;
	s0 =	simm.s32 @!p1 $0x0  }
0x14: {  	s2 =	sld [smem:$0x3F9C];
	s0 =	simm.s32 @p1 $0x1  }
0x15: {  	[smem:$0x3FB9] =	sst s0;
	s0 =	simm.s32 @!p2 $0x0  }
0x16: {  	s3 =	sld [smem:$0x3FDB];
	s0 =	simm.s32 @p2 $0x1  }
0x17: {  	s4 =	simm.s32 $0x1BF5;
	[smem:$0x3FBB] =	sst s0  }
0x18: {  	s0 =	sld [smem:$0x3F9E];
	_ =	swait.ge [sflag:s4], $0x0  }
0x19: {  	s7 =	sld [smem:$0x3F9F]  }
0x1a: {  	s8 =	sadd.s32 $0xFFFFE003, lr  }
0x1b: {  	s9 =	sadd.s32 $0xFFFFFEF7, lr;
	s5 =	simm.s32 $0xFFFFFFFF;
	p2 =	slt.u32 s8, $0xFFFFF086  }
0x1c: {  	p1 =	slt.u32 s9, $0xF7A;
	s5 =	simm.s32 @!p2 $0x0  }
0x1d: {  	s5 =	simm.s32 @p1 $0x1;
	p0 =	seq.s32 s7, s2  }
0x1e: {  	s7 =	smul.u32 @!p0 $0xF7A, s2;
	p2 =	seq.s32 @!p0 s5, $0x0  }
0x1f: {  	s9 =	smul.u32 $0xF7A, s1;
	s8 =	simm.s32 @!p0 $0x1BF5;
	p2 =	por !p2, p0  }
0x20: {  	[sflag:s8] =	ssyncset.s32 @!p0 $0xFFFFF086;
	s6 =	sadd.s32 @!p0 s3, s7;
	s7 =	simm.s32 @!p0 $0x108  }
0x21: {  	s3 =	sadd.s32 s3, s9;
	s6 =	sadd.s32 @!p0 $0x88, s6;
	s7 =	simm.s32 @p2 $0x1082  }
0x22: {  	[simem:s7], [sflag:s8] =	dma.local @!p0 [hbm:s6], $0xF7A  }
0x23: {  	s9 =	sor.u32 $0xD0000000, s2;
	s6 =	simm.s32 $0x108;
	_ =	swait.ge @!p0 [sflag:s8], $0x0  }
0x24: {  	s3 =	sadd.s32 $0x88, s3;
	s6 =	simm.s32 @!p1 $0x1082;
	[sflag:s4] =	ssyncset.s32 $0xFFFFF086  }
0x25: {  	[simem:s6], [sflag:s4] =	dma.local [hbm:s3], $0xF7A  }
0x26: {  	[smem:$0x3F9F] =	sst s1;
	(tag) =	ssettag s2;
	_ =	strace s9  }
0x27: {  	s1 =	sld [smem:$0x3FAF]  }
0x28: {  	s2 =	sld [smem:$0x3FB0]  }
0x29: {  	s4 =	sld [smem:$0x3FB2]  }
0x2a: {  	p0 =	seq.s32 s5, $0x0;
	s5 =	sld [smem:$0x3FB3]  }
0x2b: {  	s6 =	sld [smem:$0x3FB4]  }
0x2c: {  	s7 =	sld [smem:$0x3FB5]  }
0x2d: {  	s3 =	simm.s32 $0x108;
	s8 =	sld [smem:$0x3FB6]  }
0x2e: {  	s3 =	simm.s32 @!p0 $0x1082;
	s9 =	sld [smem:$0x3FB7]  }
0x2f: {  	lr =	sadd.s32 s0, s3;
	s0 =	sld [smem:$0x3FAE]  }
0x30: {  	s3 =	sld [smem:$0x3FB1]  }
0x31: {  	[smem:$0x3FBA] =	sst s10  }
0x32: {  	s10 =	sld [smem:$0x3FB8];
	_ =	sdelay $0x3  }
0x33: {  	p0 =	seq.s32 s10, $0x1;
	s10 =	sld [smem:$0x3FBA];
	_ =	sdelay $0x3  }
0x34: {  	[smem:$0x3FBA] =	sst s10  }
0x35: {  	s10 =	sld [smem:$0x3FB9];
	_ =	sdelay $0x3  }
0x36: {  	p1 =	seq.s32 s10, $0x1;
	s10 =	sld [smem:$0x3FBA];
	_ =	sdelay $0x3  }
0x37: {  	[smem:$0x3FBA] =	sst s10  }
0x38: {  	s10 =	sld [smem:$0x3FBB]  }
0x39: {  	_ = 	snop;
	(pc) =	sbr.ind lr, $3  }
0x3a: {  	_ = 	snop  }
0x3b: {  	_ = 	snop  }
0x3c: {  	p2 =	seq.s32 s10, $0x1;
	s10 =	sld [smem:$0x3FBA]  }
0x3d: {  	_ =	shalt  }
0x3e: {  	_ =	shalt  }
0x3f: {  	_ =	shalt  }
0x40: {  	_ =	shalt  }
0x41: {  	_ =	shalt  }
0x42: {  	_ =	shalt  }
0x43: {  	_ =	shalt  }
0x44: {  	_ =	shalt  }
0x45: {  	_ =	shalt  }
0x46: {  	_ =	shalt  }
0x47: {  	_ =	shalt  }
0x48: {  	_ =	shalt  }
0x49: {  	_ =	shalt  }
0x4a: {  	_ =	shalt  }
0x4b: {  	_ =	shalt  }
0x4c: {  	_ =	shalt  }
0x4d: {  	_ =	shalt  }
0x4e: {  	_ =	shalt  }
0x4f: {  	_ =	shalt  }
0x50: {  	_ =	shalt  }
0x51: {  	_ =	shalt  }
0x52: {  	_ =	shalt  }
0x53: {  	_ =	shalt  }
0x54: {  	_ =	shalt  }
0x55: {  	_ =	shalt  }
0x56: {  	_ =	shalt  }
0x57: {  	_ =	shalt  }
0x58: {  	_ =	shalt  }
0x59: {  	_ =	shalt  }
0x5a: {  	_ =	shalt  }
0x5b: {  	_ =	shalt  }
0x5c: {  	_ =	shalt  }
0x5d: {  	_ =	shalt  }
0x5e: {  	_ =	shalt  }
0x5f: {  	_ =	shalt  }
0x60: {  	_ =	shalt  }
0x61: {  	_ =	shalt  }
0x62: {  	_ =	shalt  }
0x63: {  	_ =	shalt  }
0x64: {  	_ =	shalt  }
0x65: {  	_ =	shalt  }
0x66: {  	_ =	shalt  }
0x67: {  	_ =	shalt  }
0x68: {  	_ =	shalt  }
0x69: {  	_ =	shalt  }
0x6a: {  	_ =	shalt  }
0x6b: {  	_ =	shalt  }
0x6c: {  	_ =	shalt  }
0x6d: {  	_ =	shalt  }
0x6e: {  	_ =	shalt  }
0x6f: {  	_ =	shalt  }
0x70: {  	_ =	shalt  }
0x71: {  	_ =	shalt  }
0x72: {  	_ =	shalt  }
0x73: {  	_ =	shalt  }
0x74: {  	_ =	shalt  }
0x75: {  	_ =	shalt  }
0x76: {  	_ =	shalt  }
0x77: {  	_ =	shalt  }
0x78: {  	_ =	shalt  }
0x79: {  	_ =	shalt  }
0x7a: {  	_ =	shalt  }
0x7b: {  	_ =	shalt  }
0x7c: {  	_ =	shalt  }
0x7d: {  	_ =	shalt  }
0x7e: {  	_ =	shalt  }
0x7f: {  	_ =	shalt  }
0x80: {  	_ =	shalt  }
0x81: {  	_ =	shalt  }
0x82: {  	_ =	shalt  }
0x83: {  	_ =	shalt  }
0x84: {  	_ =	shalt  }
0x85: {  	_ =	shalt  }
0x86: {  	_ =	shalt  }
0x87: {  	_ =	shalt  }
.Lfunc_end0:
.L_simem_size_0:
called_computation_lowered:
.L_overlay_start_0:
0x88: {  	s2 =	sld [smem:$0x3FD9]  }
0x89: {  	s3 =	sld [smem:$0x3FFE];
	_ =	sdelay $0x1  }
0x8a: {  	s1 =	srdreg.scid  }
0x8b: {  	s0 =	sand.u32 $0x1, s1  }
0x8c: {  	s17 =	sshll.u32 s0, $0xA;
	s2 =	sadd.s32 s3, s2  }
0x8d: {  	s2 =	sadd.s32 s2, s17  }
0x8e: {  	[smem:$0x3FC6] =	sst s2  }
0x8f: {  	_ = 	snop  }
0x90: {  	s2 =	sld [smem:$0x3FC8]  }
0x91: {  	s18 =	sld [smem:$0x3FD0];
	(tm) =	ssettm $0x1  }
0x92: {  	s4 =	sld [smem:$0x3FFB];
	_ =	sdelay $0x3  }
0x93: {  	_ =	strace s4  }
0x94: {  	s4 =	sld [smem:$0x3FFC];
	_ =	sdelay $0x3  }
0x95: {  	_ =	strace s4  }
0x96: {  	s4 =	sld [smem:$0x3FFD];
	_ =	sdelay $0x3  }
0x97: {  	_ =	strace s4  }
0x98: {  	_ =	strace $0x8FFFFFFF  }
0x99: {  	s19 =	sld [smem:$0x3FDB];
	_ =	sdelay $0x1  }
0x9a: {  	s5 =	simm.s32 $_scs_section_size  }
0x9b: {  	s6 =	simm.s32 $_size__tile_overlayer_lowered;
	s7 =	simm.s32 $_tile_overlayer_lowered  }
0x9c: {  	s22 =	simm.s32 $0x1BFF;
	s21 =	sshll.u32 s7, $0x1;
	s4 =	sadd.s32 s5, s19  }
0x9d: {  	s8 =	simm.s32 $0x0;
	s20 =	sshll.u32 s6, $0x1;
	s6 =	sadd.s32 s21, s4  }
0x9e: {  	[timem:s8], [sflag:s22] =	dma.local [hbm:s6], s20  }
0x9f: {  	_ =	swait.ge [sflag:s22], s20  }
0xa0: {  	s5 =	ssub.s32 $0x0, s20;
	[sflag:s22] =	ssyncset.done $0x0  }
0xa1: {  	[sflag:s22] =	ssyncadd.s32 s5;
	_ =	sdelay $0x1  }
0xa2: {  	s23 =	simm.s32 $0x1B8B  }
0xa3: {  	_ =	swait.ge [sflag:s23], $0x1  }
0xa4: {  	[sflag:s23] =	ssyncset.done $0x0  }
0xa5: {  	s25 =	simm.s32 $0x1B8E;
	s24 =	sld [smem:$0x3FFE];
	[sflag:s23] =	ssyncadd.s32 $0xFFFFFFFF  }
0xa6: {  	s26 =	simm.s32 $execute0_lowered;
	[smem:$0x3FD2] =	sst s25  }
0xa7: {  	s6 =	sshll.u32 s26, $0x1;
	_ =	strace $0x80000046;
	[dreg:$0x1] =	wrdreg $0xFFFFFFFF  }
0xa8: {  	s28 =	simm.s32 $_size_execute0_lowered;
	s4 =	sadd.s32 s4, s6;
	[dreg:$0x0] =	wrdreg $0x0  }
0xa9: {  	s6 =	sshll.u32 s28, $0x1;
	[dreg:$0x2] =	wrdreg s4  }
0xaa: {  	[dreg:$0x3] =	wrdreg s6  }
0xab: {  	[dreg:$0x4] =	wrdreg $0xC0  }
0xac: {  	_ =	task [dreg:s8], $0x5FFFF  }
0xad: {  	[dreg:$0x1] =	wrdreg $0xFFFFFFFF  }
0xae: {  	[dreg:$0x0] =	wrdreg $0x60  }
0xaf: {  	[dreg:$0x2] =	wrdreg s18  }
0xb0: {  	[dreg:$0x3] =	wrdreg s2  }
0xb1: {  	[dreg:$0x4] =	wrdreg s24  }
0xb2: {  	[dreg:$0x5] =	wrdreg $0x9  }
0xb3: {  	_ =	task.clear_ibuf [dreg:s8], $0x6FFFF;
	_ =	strace $0x90000046  }
0xb4: {  	s29 =	simm.s32 $0x9;
	_ =	strace $0x80000048  }
0xb5: {  	_ =	swait.ge [sflag:s29], $0x1  }
0xb6: {  	[sflag:s29] =	ssyncadd.s32 $0xFFFFFFFF  }
0xb7: {  	_ =	strace $0x90000048  }
0xb8: {  	_ =	sfence  }
0xb9: {  	s30 =	sld [smem:$0x0];
	_ =	sdelay $0x2  }
0xba: {  	s31 =	sshll.u32 s1, $0xD;
	s1 =	sshrl.u32 s1, $0x2  }
0xbb: {  	s3 =	sand.u32 $0x4000, s31;
	s1 =	sadd.s32 s1, s30  }
0xbc: {  	s0 =	sor.u32 s3, s0;
	s1 =	sshll.u32 s1, $0x11  }
0xbd: {  	s0 =	sor.u32 s1, s0  }
0xbe: {  	s0 =	sadd.s32 $0x8F2B, s0  }
0xbf: {  	[sflag:s0] =	ssyncadd.remote.s32 $0x1  }
0xc0: {  	_ =	sfence.sel $0xFFFF  }
0xc1: {  	[dreg:$0x0] =	wrdreg $0xFFFFFFFF;
	(pc) =	sbr.abs _section_cstart, $3  }
0xc2: {  	[dreg:$0x1] =	wrdreg $0xFFFFFFFF  }
0xc3: {  	_ =	task.clear_ibuf [dreg:s8], $0x2FFFF;
	_ =	strace $0x9FFFFFFF  }
0xc4: {  	(tm) =	ssettm $0x7FFFFFFF  }
0xc5: {  	_ =	shalt  }
tec
execute0_lowered:
.L_overlay_start_1:
0x0: {  	(tag) =	ssettag $0x1  }
0x1: {  	s1 =	rddreg [dreg:$0x0]  }
0x2: {  	s6 =	rddreg [dreg:$0x1]  }
0x3: {  	s4 =	rddreg [dreg:$0x2]  }
0x4: {  	s0 =	rddreg [dreg:$0x3]  }
0x5: {  	s3 =	simm.s32 $0x0;
	s5 =	srdreg.scid;
	s2 =	stileid.u32  }
0x6: {  	s11 =	simm.s32 $0x1;
	s12 =	simm.s32 $0x2800;
	s13 =	simm.s32 $0x6800  }
0x7: {  	s14 =	simm.s32 $0x0;
	[smem:$0x7FF] =	sst s3;
	s5 =	sand.u32 $0x1, s5  }
0x8: {  	s4 =	sadd.s32 $0x400, s4;
	s8 =	sshll.u32 s2, $0xB;
	s9 =	sshll.u32 s2, $0x5  }
0x9: {  	_ =	strace $0x80000047;
	s7 =	ssub.s32 $0x2, s5;
	s5 =	sshll.u32 s5, $0xA  }
0xa: {  	s8 =	sand.u32 $0x1800, s8;
	s28 =	sand.u32 $0x180, s9;
	s9 =	simm.s32 $0x80  }
0xb: {  	s10 =	sshrl.u32 s7, $0x1;
	s5 =	sor.u32 s5, s8;
	s30 =	sshrl.u32 s28, $0x3  }
0xc: {  	s29 =	ssub.s32 s7, s10;
	s31 =	sshll.u32 s5, $0x9;
	s6 =	sadd.s32 s6, s30  }
0xd: {  	v0 =	vimm.s32 $0x0;
	s10 =	simm.s32 $0x200;
	s7 =	sor.u32 s28, s31;
	s8 =	smax.u32 s29, $0x1  }
.LBB2_1:
0xe: {  	[tilespmem:s3], [sflag:$0x1] =	stream.strided.gather [hbm4b:s6+s9], $0x2800, s10, s9, $0x38;
	[tilespmem:$0xA800] =	vst v63  }
0xf: {  	_ =	swait.ge [sflag:s11], $0x2800  }
0x10: {  	[sflag:s11] =	ssyncset.done $0x0  }
0x11: {  	s15 =	smov.u32 s5;
	s16 =	simm.s32 $0x0;
	[sflag:s11] =	ssyncadd.s32 $0xFFFFD800  }
.LBB2_2:
0x12: {  	s17 =	sshll.u32 s16, $0x10  }
0x13: {  	s17 =	sadd.s32 s7, s17  }
0x14: {  	s17 =	sshrl.u32 s17, $0x3  }
0x15: {  	s18 =	sadd.s32 s1, s17  }
0x16: {  	[tilespmem:s12], [sflag:$0x1] =	stream.strided.gather [hbm4b:s18+s9], $0x4000, s10, s9, $0x38;
	[tilespmem:$0xA800] =	vst v63  }
0x17: {  	_ =	swait.ge [sflag:s11], $0x4000  }
0x18: {  	[sflag:s11] =	ssyncset.done $0x0  }
0x19: {  	s18 =	simm.s32 $0x0;
	[sflag:s11] =	ssyncadd.s32 $0xFFFFC000  }
0x1a: {  	v1 =	vld [tilespmem:s18+$0x2800];
	_ =	sdelay $0x2  }
0x1b: {  	v2 =	vmov s15;
	_ =	sdelay $0x1  }
0x1c: {  	vm0 =	vlt.s32 v1, $0x0  }
0x1d: {  	v1 =	vsel vm0, $0x0, v1;
	_ =	sdelay $0x1  }
0x1e: {  	v2 =	vld.idx.msk [tilespmem:v2+s3+$0x0], $0xffff  }
0x1f: {  	v3 =	vld [tilespmem:s18+$0x2810];
	_ =	sdelay $0x1  }
0x20: {  	v4 =	vld.idx.msk [tilespmem:v1+s3+$0x0], $0xffff;
	_ =	sdelay $0x2  }
0x21: {  	vm1 =	vlt.s32 v2, $0x4;
	vm2 =	vlt.s32 v3, $0x0;
	v1 =	vxor.u32 $0x1, v2  }
0x22: {  	v2 =	vsel vm2, $0x0, v3;
	v1 =	vnsel vm1, $0xFFFFFFFB, v1  }
0x23: {  	vm1 =	vne.s32 v4, v1  }
0x24: {  	vm0 =	vmor vm0, vm1  }
0x25: {  	v3 =	vsel vm0, $0x1, v0  }
0x26: {  	[tilespmem:s18+$0x6800] =	vst v3;
	v3 =	vld [tilespmem:s18+$0x2820]  }
0x27: {  	v2 =	vld.idx.msk [tilespmem:v2+s3+$0x0], $0xffff;
	_ =	sdelay $0x3  }
0x28: {  	vm0 =	vlt.s32 v3, $0x0  }
0x29: {  	v3 =	vsel vm0, $0x0, v3;
	vm1 =	vne.s32 v2, v1  }
0x2a: {  	vm1 =	vmor vm2, vm1  }
0x2b: {  	v2 =	vsel vm1, $0x1, v0  }
0x2c: {  	[tilespmem:s18+$0x6810] =	vst v2;
	v2 =	vld [tilespmem:s18+$0x2830];
	_ =	sdelay $0x1  }
0x2d: {  	v3 =	vld.idx.msk [tilespmem:v3+s3+$0x0], $0xffff;
	_ =	sdelay $0x2  }
0x2e: {  	vm1 =	vlt.s32 v2, $0x0  }
0x2f: {  	v2 =	vsel vm1, $0x0, v2  }
0x30: {  	vm2 =	vne.s32 v3, v1  }
0x31: {  	vm0 =	vmor vm0, vm2  }
0x32: {  	v3 =	vsel vm0, $0x1, v0  }
0x33: {  	[tilespmem:s18+$0x6820] =	vst v3;
	v3 =	vld [tilespmem:s18+$0x2840]  }
0x34: {  	v2 =	vld.idx.msk [tilespmem:v2+s3+$0x0], $0xffff;
	_ =	sdelay $0x3  }
0x35: {  	vm0 =	vlt.s32 v3, $0x0  }
0x36: {  	v3 =	vsel vm0, $0x0, v3;
	vm2 =	vne.s32 v2, v1  }
0x37: {  	vm1 =	vmor vm1, vm2  }
0x38: {  	v2 =	vsel vm1, $0x1, v0  }
0x39: {  	[tilespmem:s18+$0x6830] =	vst v2;
	v2 =	vld [tilespmem:s18+$0x2850];
	_ =	sdelay $0x1  }
0x3a: {  	v3 =	vld.idx.msk [tilespmem:v3+s3+$0x0], $0xffff;
	_ =	sdelay $0x2  }
0x3b: {  	vm1 =	vlt.s32 v2, $0x0  }
0x3c: {  	v2 =	vsel vm1, $0x0, v2  }
0x3d: {  	vm2 =	vne.s32 v3, v1  }
0x3e: {  	vm0 =	vmor vm0, vm2  }
0x3f: {  	v3 =	vsel vm0, $0x1, v0  }
0x40: {  	[tilespmem:s18+$0x6840] =	vst v3;
	v3 =	vld [tilespmem:s18+$0x2860]  }
0x41: {  	v2 =	vld.idx.msk [tilespmem:v2+s3+$0x0], $0xffff;
	_ =	sdelay $0x3  }
0x42: {  	vm2 =	vlt.s32 v3, $0x0  }
0x43: {  	vm0 =	vne.s32 v2, v1;
	v2 =	vsel vm2, $0x0, v3  }
0x44: {  	vm0 =	vmor vm1, vm0  }
0x45: {  	v3 =	vsel vm0, $0x1, v0  }
0x46: {  	[tilespmem:s18+$0x6850] =	vst v3;
	v3 =	vld [tilespmem:s18+$0x2870];
	_ =	sdelay $0x1  }
0x47: {  	v2 =	vld.idx.msk [tilespmem:v2+s3+$0x0], $0xffff;
	_ =	sdelay $0x2  }
0x48: {  	vm0 =	vlt.s32 v3, $0x0  }
0x49: {  	v3 =	vsel vm0, $0x0, v3  }
0x4a: {  	vm1 =	vne.s32 v2, v1  }
0x4b: {  	vm1 =	vmor vm2, vm1  }
0x4c: {  	s21 =	simm.s32 $0x80;
	v4 =	vsel vm1, $0x1, v0  }
0x4d: {  	v2 =	vld [tilespmem:s21+$0x2800];
	[tilespmem:s18+$0x6860] =	vst v4  }
0x4e: {  	s19 =	simm.s32 $0x400;
	s20 =	smov.u32 s15;
	v3 =	vld.idx.msk [tilespmem:v3+s3+$0x0], $0xffff  }
.LBB2_3:
0x4f: {  	p0 =	sne.s32 s19, $0xFE00;
	_ =	sdelay $0x2  }
0x50: {  	s20 =	sadd.s32 $0x1, s20  }
0x51: {  	v4 =	vmov s20;
	vm1 =	vlt.s32 v2, $0x0  }
0x52: {  	v2 =	vsel vm1, $0x0, v2;
	vm2 =	vne.s32 v3, v1  }
0x53: {  	vm0 =	vmor vm0, vm2  }
0x54: {  	v1 =	vsel vm0, $0x1, v0  }
0x55: {  	v3 =	vld [tilespmem:s21+$0x2810];
	[tilespmem:s18+$0x6870] =	vst v1;
	s18 =	smov.u32 s21  }
0x56: {  	v1 =	vld.idx.msk [tilespmem:v4+s3+$0x0], $0xffff  }
0x57: {  	v2 =	vld.idx.msk [tilespmem:v2+s3+$0x0], $0xffff;
	_ =	sdelay $0x4  }
0x58: {  	vm2 =	vlt.s32 v3, $0x0;
	vm0 =	vlt.s32 v1, $0x4;
	v1 =	vxor.u32 $0x1, v1  }
0x59: {  	v3 =	vsel vm2, $0x0, v3;
	v1 =	vnsel vm0, $0xFFFFFFFB, v1  }
0x5a: {  	vm0 =	vne.s32 v2, v1  }
0x5b: {  	vm0 =	vmor vm1, vm0  }
0x5c: {  	v2 =	vsel vm0, $0x1, v0  }
0x5d: {  	[tilespmem:s18+$0x6800] =	vst v2;
	v2 =	vld [tilespmem:s18+$0x2820]  }
0x5e: {  	v3 =	vld.idx.msk [tilespmem:v3+s3+$0x0], $0xffff;
	_ =	sdelay $0x3  }
0x5f: {  	vm0 =	vlt.s32 v2, $0x0  }
0x60: {  	v2 =	vsel vm0, $0x0, v2  }
0x61: {  	vm1 =	vne.s32 v3, v1  }
0x62: {  	vm1 =	vmor vm2, vm1  }
0x63: {  	v3 =	vsel vm1, $0x1, v0  }
0x64: {  	[tilespmem:s18+$0x6810] =	vst v3;
	v3 =	vld [tilespmem:s18+$0x2830]  }
0x65: {  	v2 =	vld.idx.msk [tilespmem:v2+s3+$0x0], $0xffff;
	_ =	sdelay $0x3  }
0x66: {  	vm1 =	vlt.s32 v3, $0x0  }
0x67: {  	v3 =	vsel vm1, $0x0, v3  }
0x68: {  	vm2 =	vne.s32 v2, v1  }
0x69: {  	vm0 =	vmor vm0, vm2  }
0x6a: {  	v2 =	vsel vm0, $0x1, v0  }
0x6b: {  	[tilespmem:s18+$0x6820] =	vst v2;
	v2 =	vld [tilespmem:s18+$0x2840]  }
0x6c: {  	v3 =	vld.idx.msk [tilespmem:v3+s3+$0x0], $0xffff;
	_ =	sdelay $0x3  }
0x6d: {  	vm0 =	vlt.s32 v2, $0x0  }
0x6e: {  	v2 =	vsel vm0, $0x0, v2  }
0x6f: {  	vm2 =	vne.s32 v3, v1  }
0x70: {  	vm1 =	vmor vm1, vm2  }
0x71: {  	v3 =	vsel vm1, $0x1, v0  }
0x72: {  	[tilespmem:s18+$0x6830] =	vst v3;
	v3 =	vld [tilespmem:s18+$0x2850]  }
0x73: {  	v2 =	vld.idx.msk [tilespmem:v2+s3+$0x0], $0xffff;
	_ =	sdelay $0x3  }
0x74: {  	vm1 =	vlt.s32 v3, $0x0  }
0x75: {  	v3 =	vsel vm1, $0x0, v3  }
0x76: {  	vm2 =	vne.s32 v2, v1  }
0x77: {  	vm0 =	vmor vm0, vm2  }
0x78: {  	v2 =	vsel vm0, $0x1, v0  }
0x79: {  	[tilespmem:s18+$0x6840] =	vst v2;
	v2 =	vld [tilespmem:s18+$0x2860]  }
0x7a: {  	v3 =	vld.idx.msk [tilespmem:v3+s3+$0x0], $0xffff;
	_ =	sdelay $0x3  }
0x7b: {  	vm2 =	vlt.s32 v2, $0x0  }
0x7c: {  	v2 =	vsel vm2, $0x0, v2  }
0x7d: {  	vm0 =	vne.s32 v3, v1  }
0x7e: {  	vm0 =	vmor vm1, vm0  }
0x7f: {  	v3 =	vsel vm0, $0x1, v0  }
0x80: {  	[tilespmem:s18+$0x6850] =	vst v3;
	v3 =	vld [tilespmem:s18+$0x2870]  }
0x81: {  	v2 =	vld.idx.msk [tilespmem:v2+s3+$0x0], $0xffff;
	_ =	sdelay $0x3  }
0x82: {  	vm0 =	vlt.s32 v3, $0x0  }
0x83: {  	v3 =	vsel vm0, $0x0, v3  }
.Ltmp0:
0x84: {  	vm1 =	vne.s32 v2, v1;
	(pc) =	sbr.rel @p0 .LBB2_3-.Ltmp0, $4  }
0x85: {  	vm1 =	vmor vm2, vm1  }
0x86: {  	s21 =	sshra.s32 s19, $0x2;
	v4 =	vsel vm1, $0x1, v0  }
0x87: {  	v2 =	vld [tilespmem:s21+$0x2800];
	[tilespmem:s18+$0x6860] =	vst v4  }
0x88: {  	s19 =	sadd.s32 $0x200, s19;
	v3 =	vld.idx.msk [tilespmem:v3+s3+$0x0], $0xffff  }
0x89: {  	_ =	sdelay $0x1  }
0x8a: {  	s19 =	sadd.s32 $0x1, s20  }
0x8b: {  	v4 =	vmov s19  }
0x8c: {  	vm1 =	vlt.s32 v2, $0x0;
	vm2 =	vne.s32 v3, v1  }
0x8d: {  	v1 =	vsel vm1, $0x0, v2;
	vm0 =	vmor vm0, vm2  }
0x8e: {  	v2 =	vsel vm0, $0x1, v0  }
0x8f: {  	v3 =	vld [tilespmem:s21+$0x2810];
	[tilespmem:s18+$0x6870] =	vst v2  }
0x90: {  	v2 =	vld.idx.msk [tilespmem:v4+s3+$0x0], $0xffff;
	_ =	sdelay $0x1  }
0x91: {  	v1 =	vld.idx.msk [tilespmem:v1+s3+$0x0], $0xffff;
	_ =	sdelay $0x2  }
0x92: {  	vm14 =	vlt.s32 v3, $0x0;
	vm13 =	vlt.s32 v2, $0x4;
	v2 =	vxor.u32 $0x1, v2  }
0x93: {  	v3 =	vsel vm14, $0x0, v3;
	v2 =	vnsel vm13, $0xFFFFFFFB, v2  }
0x94: {  	vm0 =	vne.s32 v1, v2  }
0x95: {  	vm0 =	vmor vm1, vm0  }
0x96: {  	v1 =	vsel vm0, $0x1, v0  }
0x97: {  	[tilespmem:s21+$0x6800] =	vst v1;
	v1 =	vld [tilespmem:s21+$0x2820]  }
0x98: {  	v3 =	vld.idx.msk [tilespmem:v3+s3+$0x0], $0xffff;
	_ =	sdelay $0x3  }
0x99: {  	vm15 =	vlt.s32 v1, $0x0  }
0x9a: {  	v1 =	vsel vm15, $0x0, v1;
	vm4 =	vne.s32 v3, v2  }
0x9b: {  	vm1 =	vmor vm14, vm4  }
0x9c: {  	v3 =	vsel vm1, $0x1, v0  }
0x9d: {  	[tilespmem:s21+$0x6810] =	vst v3;
	v3 =	vld [tilespmem:s21+$0x2830];
	_ =	sdelay $0x1  }
0x9e: {  	v1 =	vld.idx.msk [tilespmem:v1+s3+$0x0], $0xffff;
	_ =	sdelay $0x2  }
0x9f: {  	vm5 =	vlt.s32 v3, $0x0  }
0xa0: {  	v3 =	vsel vm5, $0x0, v3  }
0xa1: {  	vm6 =	vne.s32 v1, v2  }
0xa2: {  	vm0 =	vmor vm15, vm6  }
0xa3: {  	v1 =	vsel vm0, $0x1, v0  }
0xa4: {  	[tilespmem:s21+$0x6820] =	vst v1;
	v1 =	vld [tilespmem:s21+$0x2840]  }
0xa5: {  	v3 =	vld.idx.msk [tilespmem:v3+s3+$0x0], $0xffff;
	_ =	sdelay $0x3  }
0xa6: {  	vm7 =	vlt.s32 v1, $0x0  }
0xa7: {  	v1 =	vsel vm7, $0x0, v1;
	vm8 =	vne.s32 v3, v2  }
0xa8: {  	vm1 =	vmor vm5, vm8  }
0xa9: {  	v3 =	vsel vm1, $0x1, v0  }
0xaa: {  	[tilespmem:s21+$0x6830] =	vst v3;
	v3 =	vld [tilespmem:s21+$0x2850];
	_ =	sdelay $0x1  }
0xab: {  	v1 =	vld.idx.msk [tilespmem:v1+s3+$0x0], $0xffff;
	_ =	sdelay $0x2  }
0xac: {  	vm9 =	vlt.s32 v3, $0x0  }
0xad: {  	v3 =	vsel vm9, $0x0, v3  }
0xae: {  	vm10 =	vne.s32 v1, v2  }
0xaf: {  	vm0 =	vmor vm7, vm10  }
0xb0: {  	v1 =	vsel vm0, $0x1, v0  }
0xb1: {  	[tilespmem:s21+$0x6840] =	vst v1;
	v1 =	vld [tilespmem:s21+$0x2860]  }
0xb2: {  	v3 =	vld.idx.msk [tilespmem:v3+s3+$0x0], $0xffff;
	_ =	sdelay $0x3  }
0xb3: {  	vm11 =	vlt.s32 v1, $0x0  }
0xb4: {  	vm12 =	vne.s32 v3, v2;
	v1 =	vsel vm11, $0x0, v1  }
0xb5: {  	vm1 =	vmor vm9, vm12  }
0xb6: {  	v3 =	vsel vm1, $0x1, v0  }
0xb7: {  	[tilespmem:s21+$0x6850] =	vst v3;
	v3 =	vld [tilespmem:s21+$0x2870];
	_ =	sdelay $0x1  }
0xb8: {  	v1 =	vld.idx.msk [tilespmem:v1+s3+$0x0], $0xffff;
	_ =	sdelay $0x2  }
0xb9: {  	vm13 =	vlt.s32 v3, $0x0  }
0xba: {  	v3 =	vsel vm13, $0x0, v3  }
0xbb: {  	vm14 =	vne.s32 v1, v2  }
0xbc: {  	vm0 =	vmor vm11, vm14  }
0xbd: {  	v1 =	vsel vm0, $0x1, v0  }
0xbe: {  	[tilespmem:s21+$0x6860] =	vst v1  }
0xbf: {  	v1 =	vld.idx.msk [tilespmem:v3+s3+$0x0], $0xffff;
	_ =	sdelay $0x4  }
0xc0: {  	vm15 =	vne.s32 v1, v2  }
0xc1: {  	s16 =	sadd.s32 $0x1, s16;
	vm0 =	vmor vm13, vm15  }
0xc2: {  	p0 =	sne.s32 s16, $0x8;
	v1 =	vsel vm0, $0x1, v0  }
.Ltmp1:
0xc3: {  	s17 =	sadd.s32 s4, s17;
	[tilespmem:s21+$0x6870] =	vst v1;
	(pc) =	sbr.rel @p0 .LBB2_2-.Ltmp1, $4  }
0xc4: {  	[hbm4b:s17+s9] =	stream.strided.scatter [tilespmem:s13], [sflag:$0x1], $0x4000, s10, s9, $0x38;
	[tilespmem:$0xA800] =	vst v63  }
0xc5: {  	_ =	swait.ge [sflag:s11], $0x4000  }
0xc6: {  	[sflag:s11] =	ssyncset.done $0x0  }
0xc7: {  	s15 =	sadd.s32 $0x80, s15;
	[sflag:s11] =	ssyncadd.s32 $0xFFFFC000  }
0xc8: {  	s14 =	sadd.s32 $0x1, s14  }
0xc9: {  	p0 =	sne.s32 s14, s8  }
.Ltmp2:
0xca: {  	_ = 	snop;
	(pc) =	sbr.rel @p0 .LBB2_1-.Ltmp2, $1  }
0xcb: {  	_ =	sdelay $0x3  }
0xcc: {  	_ =	sfence.sel $0x180000  }
0xcd: {  	[bflag:$0x0] =	sbarrier.arrive $0xFFFF  }
0xce: {  	p0 =	sne.s32 s2, $0x0;
	_ =	strace $0x90000047  }
0xcf: {  	s0 =	sadd.s32 @!p0 $0x100000, s0;
	[bflag:$0x2] =	sbarrier.arrive $0xFFFF  }
0xd0: {  	[sflag:s0] =	ssyncadd.tile.s32 @!p0 $0x1;
	_ =	shalt  }
.Lfunc_end2:
_tile_overlayer_lowered:
.L_overlay_start_2:
0xd1: {  	(tag) =	ssettag $0x2  }
0xd2: {  	s0 =	rddreg [dreg:$0x0];
	s2 =	stileid.u32  }
0xd3: {  	s1 =	rddreg [dreg:$0x1];
	p0 =	sne.s32 s2, $0x0  }
0xd4: {  	s3 =	rddreg [dreg:$0x2];
	[bflag:$0x3] =	sbarrier.arrive $0xFFFF;
	s2 =	simm.s32 @!p0 $0x1C01  }
0xd5: {  	[timem:s3], [sflag:s2] =	dma.local @!p0 [hbm:s0], s1  }
0xd6: {  	s0 =	simm.s32 @!p0 $0x1  }
0xd7: {  	_ =	swait.ge @!p0 [sflag:s0], s1  }
0xd8: {  	s1 =	ssub.s32 @!p0 $0x0, s1;
	[sflag:s0] =	ssyncset.done @!p0 $0x0  }
0xd9: {  	[sflag:s0] =	ssyncadd.s32 @!p0 s1  }
0xda: {  	[bflag:$0x3] =	sbarrier.arrive $0xFFFF  }
0xdb: {  	_ =	shalt  }

</sc_bundles>
